<compile_context>
chip_gen: v7x
topology: tpu7x:2x2x1
jax: 0.10.2.dev20260603
libtpu: 0.0.44.dev20260713+nightly
codegen_flags: <defaults>
</compile_context>

<pallas_src>
import functools

import jax
import jax.numpy as jnp
from jax import lax
from jax.experimental import pallas as pl
from jax.experimental.pallas import tpu as pltpu
from jax.experimental.pallas import tpu_sc as plsc

_ROWS = 128
_COLS = 32768
_K = 64
_SUB = 8
_LANE = 128
_CPT = 2


@functools.cache
def _make_gather():
    info = plsc.get_sparse_core_info()
    nc, ns = info.num_cores, info.num_subcores

    mesh = plsc.VectorSubcoreMesh(core_axis_name="c", subcore_axis_name="s")

    @functools.partial(
        pl.kernel,
        mesh=mesh,
        out_type=jax.ShapeDtypeStruct((_K, _ROWS), jnp.float32),
        scratch_types=[
            pltpu.VMEM((_K,), jnp.int32),
            pltpu.VMEM((_K,), jnp.int32),
            pltpu.VMEM((_CPT * _ROWS, _LANE), jnp.float32),
            pltpu.VMEM((_CPT, _ROWS), jnp.float32),
            pltpu.VMEM((_SUB, _ROWS), jnp.float32),
            pltpu.VMEM_SHARED((ns, _CPT, _ROWS), jnp.float32),
            pltpu.SemaphoreType.DMA,
            pltpu.SemaphoreType.DMA,
        ],
        compiler_params=pltpu.CompilerParams(needs_layout_passes=False),
    )
    def gather_kernel(
        x_hbm,
        mask_hbm,
        out_hbm,
        mask_v,
        lanes_v,
        blocks_v,
        frag_v,
        vals_v,
        shared,
        sem0,
        sem1,
    ):
        s = lax.axis_index("s")
        c = lax.axis_index("c")
        b = c * 4 + lax.shift_right_logical(s, 2)
        q = lax.bitwise_and(s, 3)
        j0 = b * _SUB + q * _CPT

        pltpu.sync_copy(mask_hbm, mask_v)
        iota = lax.iota(jnp.int32, 16)

        for u in range(_K // 16):
            lanes_v[pl.ds(16 * u, 16)] = lax.bitwise_and(
                mask_v[pl.ds(16 * u, 16)], 127
            )

        def mask_scalar(j):
            pos = jnp.broadcast_to(j, (16,))
            return plsc.load_gather(mask_v, [pos])[0]

        for t in range(_CPT):
            m = mask_scalar(j0 + t)
            mt = pl.multiple_of(
                lax.shift_left(lax.shift_right_logical(m, 7), 7), _LANE
            )
            pltpu.async_copy(
                x_hbm.at[:, pl.ds(mt, _LANE)],
                blocks_v.at[pl.ds(t * _ROWS, _ROWS)],
                sem0 if t == 0 else sem1,
            )

        for t in range(_CPT):
            pltpu.make_async_copy(
                x_hbm.at[:, pl.ds(0, _LANE)],
                blocks_v.at[pl.ds(t * _ROWS, _ROWS)],
                sem0 if t == 0 else sem1,
            ).wait()
            lane = plsc.load_gather(lanes_v, [jnp.broadcast_to(j0 + t, (16,))])

            def pick(k, carry):
                base = pl.multiple_of(16 * k, 16)
                vec = plsc.load_gather(
                    blocks_v, [t * _ROWS + base + iota, lane]
                )
                frag_v[t, pl.ds(base, 16)] = vec
                return carry

            lax.fori_loop(0, _ROWS // 16, pick, 0)

        pltpu.sync_copy(frag_v, shared.at[s])
        plsc.subcore_barrier()

        @pl.when(q == 0)
        def _():
            for g in range(_SUB // _CPT):
                pltpu.sync_copy(
                    shared.at[s + g], vals_v.at[pl.ds(g * _CPT, _CPT)]
                )
            pltpu.sync_copy(
                vals_v, out_hbm.at[pl.ds(pl.multiple_of(b * _SUB, _SUB), _SUB), :]
            )

    return gather_kernel


def kernel(x, mask):
    return _make_gather()(x, mask).T

# --- scband reference (transcript-rebuilt; emitter-appended) ---
"""Pipeline reference for scband-mask-layer-29901562315449 (READ-ONLY COPY).

The authoritative reference and input builder live on the scoring server;
editing this copy changes nothing except your own understanding.
"""

import jax, jax.numpy as jnp
import numpy as np


def setup_inputs(seed: int = 0) -> dict:
    key = jax.random.key(seed)
    kx, _ = jax.random.split(key)
    x = jax.random.normal(kx, (128, 32768), dtype=jnp.float32)
    # mask: fixed index tensor given at module construction time (e.g. torch.topk()[1])
    mask = (jnp.arange(64, dtype=jnp.int32) * 512).astype(jnp.int32)
    return {"x": x, "mask": mask}


def reference(x, mask):
    # torch.index_select(x, 1, mask) -> gather columns of x by mask indices
    return jnp.take(x, mask, axis=1)

if __name__ == "__main__":
    import jax
    _d = setup_inputs()
    print(jax.jit(kernel)(*tuple(_d.values())))

</pallas_src>

<mosaic_0001>
#map = affine_map<(d0, d1) -> (0, 0)>
#map1 = affine_map<(d0, d1) -> (0)>
module attributes {stable_mosaic.version = 14 : i64} {
  func.func @gather_kernel(%arg0: i32, %arg1: i32, %arg2: memref<128x32768xf32, #tpu.memory_space<hbm>>, %arg3: memref<64xi32, #tpu.memory_space<hbm>>, %arg4: memref<64x128xf32, #tpu.memory_space<hbm>>, %arg5: memref<64xi32, #tpu.memory_space<vmem>>, %arg6: memref<64xi32, #tpu.memory_space<vmem>>, %arg7: memref<256x128xf32, #tpu.memory_space<vmem>>, %arg8: memref<2x128xf32, #tpu.memory_space<vmem>>, %arg9: memref<8x128xf32, #tpu.memory_space<vmem>>, %arg10: memref<16x2x128xf32, #tpu.memory_space<vmem_shared>>, %arg11: memref<!tpu.dma_semaphore, #tpu.memory_space<semaphore_mem>>, %arg12: memref<!tpu.dma_semaphore, #tpu.memory_space<semaphore_mem>>) attributes {dimension_semantics = [#tpu.dimension_semantics<core_parallel>, #tpu.dimension_semantics<subcore_parallel>], iteration_bounds = array<i64: 2, 16>, scalar_prefetch = 0 : i64, scratch_operands = 8 : i64, tpu.core_type = #tpu.core_type<sc_vector_subcore>, window_params = [{transform_indices = #map}, {transform_indices = #map1}, {transform_indices = #map}]} {
    %mul3A = arith.constant 4 : i32
    %mul3A_0 = arith.muli %arg0, %mul3A : i32
    %shift_right_logical3A = arith.constant 2 : i32
    %shift_right_logical3A_1 = arith.shrui %arg1, %shift_right_logical3A : i32
    %add3A = arith.addi %mul3A_0, %shift_right_logical3A_1 : i32
    %and3A = arith.constant 3 : i32
    %and3A_2 = arith.andi %arg1, %and3A : i32
    %mul3A_3 = arith.constant 8 : i32
    %mul3A_4 = arith.muli %add3A, %mul3A_3 : i32
    %mul3A_5 = arith.constant 2 : i32
    %mul3A_6 = arith.muli %and3A_2, %mul3A_5 : i32
    %add3A_7 = arith.addi %mul3A_4, %mul3A_6 : i32
    "tpu.region"() ({
      %run_scoped3A = tpu.sem_alloc : memref<!tpu.dma_semaphore, #tpu.memory_space<semaphore_mem>>
      tpu.enqueue_dma source(%arg3 : memref<64xi32, #tpu.memory_space<hbm>>) target(%arg5 : memref<64xi32, #tpu.memory_space<vmem>>) target_semaphore(%run_scoped3A : memref<!tpu.dma_semaphore, #tpu.memory_space<semaphore_mem>>)
      tpu.wait_dma2 semaphore(%run_scoped3A : memref<!tpu.dma_semaphore, #tpu.memory_space<semaphore_mem>>) src(%arg3 : memref<64xi32, #tpu.memory_space<hbm>>) dst(%arg5 : memref<64xi32, #tpu.memory_space<vmem>>)
      tpu.yield
    }) : () -> ()
    %iota3A = tpu.iota {dimensions = array<i32: 0>} : vector<16xi32>
    %get3A = arith.constant 0 : index
    %get3A_8 = tpu.vector_load %arg5[%get3A] {strides = array<i32>} : memref<64xi32, #tpu.memory_space<vmem>>, vector<16xi32>,
    %and3A_9 = arith.constant 127 : i32
    %and3A_10 = vector.broadcast %and3A_9 : i32 to vector<16xi32>
    %and3A_11 = arith.andi %get3A_8, %and3A_10 : vector<16xi32>
    %swap3A = arith.constant 0 : index
    %swap3A_12 = tpu.vector_load %arg6[%swap3A] {strides = array<i32>} : memref<64xi32, #tpu.memory_space<vmem>>, vector<16xi32>,
    tpu.vector_store %arg6[%swap3A], %and3A_11 {strides = array<i32>} : memref<64xi32, #tpu.memory_space<vmem>>, vector<16xi32>,
    %get3A_13 = arith.constant 16 : index
    %get3A_14 = tpu.vector_load %arg5[%get3A_13] {strides = array<i32>} : memref<64xi32, #tpu.memory_space<vmem>>, vector<16xi32>,
    %and3A_15 = arith.constant 127 : i32
    %and3A_16 = vector.broadcast %and3A_15 : i32 to vector<16xi32>
    %and3A_17 = arith.andi %get3A_14, %and3A_16 : vector<16xi32>
    %swap3A_18 = arith.constant 16 : index
    %swap3A_19 = tpu.vector_load %arg6[%swap3A_18] {strides = array<i32>} : memref<64xi32, #tpu.memory_space<vmem>>, vector<16xi32>,
    tpu.vector_store %arg6[%swap3A_18], %and3A_17 {strides = array<i32>} : memref<64xi32, #tpu.memory_space<vmem>>, vector<16xi32>,
    %get3A_20 = arith.constant 32 : index
    %get3A_21 = tpu.vector_load %arg5[%get3A_20] {strides = array<i32>} : memref<64xi32, #tpu.memory_space<vmem>>, vector<16xi32>,
    %and3A_22 = arith.constant 127 : i32
    %and3A_23 = vector.broadcast %and3A_22 : i32 to vector<16xi32>
    %and3A_24 = arith.andi %get3A_21, %and3A_23 : vector<16xi32>
    %swap3A_25 = arith.constant 32 : index
    %swap3A_26 = tpu.vector_load %arg6[%swap3A_25] {strides = array<i32>} : memref<64xi32, #tpu.memory_space<vmem>>, vector<16xi32>,
    tpu.vector_store %arg6[%swap3A_25], %and3A_24 {strides = array<i32>} : memref<64xi32, #tpu.memory_space<vmem>>, vector<16xi32>,
    %get3A_27 = arith.constant 48 : index
    %get3A_28 = tpu.vector_load %arg5[%get3A_27] {strides = array<i32>} : memref<64xi32, #tpu.memory_space<vmem>>, vector<16xi32>,
    %and3A_29 = arith.constant 127 : i32
    %and3A_30 = vector.broadcast %and3A_29 : i32 to vector<16xi32>
    %and3A_31 = arith.andi %get3A_28, %and3A_30 : vector<16xi32>
    %swap3A_32 = arith.constant 48 : index
    %swap3A_33 = tpu.vector_load %arg6[%swap3A_32] {strides = array<i32>} : memref<64xi32, #tpu.memory_space<vmem>>, vector<16xi32>,
    tpu.vector_store %arg6[%swap3A_32], %and3A_31 {strides = array<i32>} : memref<64xi32, #tpu.memory_space<vmem>>, vector<16xi32>,
    %add3A_34 = arith.constant 0 : i32
    %add3A_35 = arith.addi %add3A_7, %add3A_34 : i32
    %broadcast_in_dim3A = vector.broadcast %add3A_35 : i32 to vector<16xi32>
    %gather3A = tpu.vector_load_idx %arg5[%broadcast_in_dim3A] : memref<64xi32, #tpu.memory_space<vmem>>[vector<16xi32>], vector<16xi32>,
    %slice3A = vector.extract_strided_slice %gather3A {offsets = [0], sizes = [1], strides = [1]} : vector<16xi32> to vector<1xi32>
    %squeeze3A = vector.extract %slice3A[0] : i32 from vector<1xi32>
    %shift_right_logical3A_36 = arith.constant 7 : i32
    %shift_right_logical3A_37 = arith.shrui %squeeze3A, %shift_right_logical3A_36 : i32
    %shift_left3A = arith.constant 7 : i32
    %shift_left3A_38 = arith.shli %shift_right_logical3A_37, %shift_left3A : i32
    %multiple_of3A = tpu.assume_multiple %shift_left3A_38, 128 : i32
    %dma_start3A = arith.constant 0 : i32
    %dma_start3A_39 = arith.constant 0 : i32
    %dma_start3A_40 = tpu.memref_slice %arg7[%dma_start3A, %dma_start3A_39] : memref<256x128xf32, #tpu.memory_space<vmem>> -> memref<128x128xf32, #tpu.memory_space<vmem>>
    %dma_start3A_41 = arith.constant 0 : i32
    %dma_start3A_42 = tpu.memref_slice %arg2[%dma_start3A_41, %multiple_of3A] : memref<128x32768xf32, #tpu.memory_space<hbm>> -> memref<128x128xf32, #tpu.memory_space<hbm>>
    %dma_start3A_43 = arith.constant 0 : i32
    %dma_start3A_44 = arith.constant 0 : i32
    %dma_start3A_45 = tpu.memref_slice %arg7[%dma_start3A_43, %dma_start3A_44] : memref<256x128xf32, #tpu.memory_space<vmem>> -> memref<128x128xf32, #tpu.memory_space<vmem>>
    %dma_start3A_46 = arith.constant 0 : i32
    %dma_start3A_47 = tpu.memref_slice %arg2[%dma_start3A_46, %multiple_of3A] : memref<128x32768xf32, #tpu.memory_space<hbm>> -> memref<128x128xf32, #tpu.memory_space<hbm>>
    tpu.enqueue_dma source(%dma_start3A_47 : memref<128x128xf32, #tpu.memory_space<hbm>>) target(%dma_start3A_45 : memref<128x128xf32, #tpu.memory_space<vmem>>) target_semaphore(%arg11 : memref<!tpu.dma_semaphore, #tpu.memory_space<semaphore_mem>>)
    %add3A_48 = arith.constant 1 : i32
    %add3A_49 = arith.addi %add3A_7, %add3A_48 : i32
    %broadcast_in_dim3A_50 = vector.broadcast %add3A_49 : i32 to vector<16xi32>
    %gather3A_51 = tpu.vector_load_idx %arg5[%broadcast_in_dim3A_50] : memref<64xi32, #tpu.memory_space<vmem>>[vector<16xi32>], vector<16xi32>,
    %slice3A_52 = vector.extract_strided_slice %gather3A_51 {offsets = [0], sizes = [1], strides = [1]} : vector<16xi32> to vector<1xi32>
    %squeeze3A_53 = vector.extract %slice3A_52[0] : i32 from vector<1xi32>
    %shift_right_logical3A_54 = arith.constant 7 : i32
    %shift_right_logical3A_55 = arith.shrui %squeeze3A_53, %shift_right_logical3A_54 : i32
    %shift_left3A_56 = arith.constant 7 : i32
    %shift_left3A_57 = arith.shli %shift_right_logical3A_55, %shift_left3A_56 : i32
    %multiple_of3A_58 = tpu.assume_multiple %shift_left3A_57, 128 : i32
    %dma_start3A_59 = arith.constant 128 : i32
    %dma_start3A_60 = arith.constant 0 : i32
    %dma_start3A_61 = tpu.memref_slice %arg7[%dma_start3A_59, %dma_start3A_60] : memref<256x128xf32, #tpu.memory_space<vmem>> -> memref<128x128xf32, #tpu.memory_space<vmem>>
    %dma_start3A_62 = arith.constant 0 : i32
    %dma_start3A_63 = tpu.memref_slice %arg2[%dma_start3A_62, %multiple_of3A_58] : memref<128x32768xf32, #tpu.memory_space<hbm>> -> memref<128x128xf32, #tpu.memory_space<hbm>>
    %dma_start3A_64 = arith.constant 128 : i32
    %dma_start3A_65 = arith.constant 0 : i32
    %dma_start3A_66 = tpu.memref_slice %arg7[%dma_start3A_64, %dma_start3A_65] : memref<256x128xf32, #tpu.memory_space<vmem>> -> memref<128x128xf32, #tpu.memory_space<vmem>>
    %dma_start3A_67 = arith.constant 0 : i32
    %dma_start3A_68 = tpu.memref_slice %arg2[%dma_start3A_67, %multiple_of3A_58] : memref<128x32768xf32, #tpu.memory_space<hbm>> -> memref<128x128xf32, #tpu.memory_space<hbm>>
    tpu.enqueue_dma source(%dma_start3A_68 : memref<128x128xf32, #tpu.memory_space<hbm>>) target(%dma_start3A_66 : memref<128x128xf32, #tpu.memory_space<vmem>>) target_semaphore(%arg12 : memref<!tpu.dma_semaphore, #tpu.memory_space<semaphore_mem>>)
    %dma_wait3A = arith.constant 0 : i32
    %dma_wait3A_69 = arith.constant 0 : i32
    %dma_wait3A_70 = tpu.memref_slice %arg7[%dma_wait3A, %dma_wait3A_69] : memref<256x128xf32, #tpu.memory_space<vmem>> -> memref<128x128xf32, #tpu.memory_space<vmem>>
    %dma_wait3A_71 = arith.constant 0 : i32
    %dma_wait3A_72 = arith.constant 0 : i32
    %dma_wait3A_73 = tpu.memref_slice %arg2[%dma_wait3A_71, %dma_wait3A_72] : memref<128x32768xf32, #tpu.memory_space<hbm>> -> memref<128x128xf32, #tpu.memory_space<hbm>>
    %dma_wait3A_74 = arith.constant 0 : i32
    %dma_wait3A_75 = arith.constant 0 : i32
    %dma_wait3A_76 = tpu.memref_slice %arg7[%dma_wait3A_74, %dma_wait3A_75] : memref<256x128xf32, #tpu.memory_space<vmem>> -> memref<128x128xf32, #tpu.memory_space<vmem>>
    %dma_wait3A_77 = arith.constant 0 : i32
    %dma_wait3A_78 = arith.constant 0 : i32
    %dma_wait3A_79 = tpu.memref_slice %arg2[%dma_wait3A_77, %dma_wait3A_78] : memref<128x32768xf32, #tpu.memory_space<hbm>> -> memref<128x128xf32, #tpu.memory_space<hbm>>
    tpu.wait_dma2 semaphore(%arg11 : memref<!tpu.dma_semaphore, #tpu.memory_space<semaphore_mem>>) src(%dma_wait3A_79 : memref<128x128xf32, #tpu.memory_space<hbm>>) dst(%dma_wait3A_76 : memref<128x128xf32, #tpu.memory_space<vmem>>)
    %add3A_80 = arith.constant 0 : i32
    %add3A_81 = arith.addi %add3A_7, %add3A_80 : i32
    %broadcast_in_dim3A_82 = vector.broadcast %add3A_81 : i32 to vector<16xi32>
    %gather3A_83 = tpu.vector_load_idx %arg6[%broadcast_in_dim3A_82] : memref<64xi32, #tpu.memory_space<vmem>>[vector<16xi32>], vector<16xi32>,
    %scan3A = arith.constant 0 : i32
    %scan3A_84 = arith.constant 0 : i32
    %scan3A_85 = arith.constant 8 : i32
    %scan3A_86 = arith.addi %scan3A_84, %scan3A_85 : i32
    %scan3A_87 = arith.constant 1 : i32
    scf.for %scan3A_113 = %scan3A_84 to %scan3A_86 step %scan3A_87  : i32 {
      %mul3A_114 = arith.constant 16 : i32
      %mul3A_115 = arith.muli %mul3A_114, %scan3A_113 : i32
      %multiple_of3A_116 = tpu.assume_multiple %mul3A_115, 16 : i32
      %add3A_117 = arith.constant 0 : i32
      %add3A_118 = arith.addi %add3A_117, %multiple_of3A_116 : i32
      %add3A_119 = vector.broadcast %add3A_118 : i32 to vector<16xi32>
      %add3A_120 = arith.addi %add3A_119, %iota3A : vector<16xi32>
      %gather3A_121 = tpu.vector_load_idx %arg7[%add3A_120, %gather3A_83] : memref<256x128xf32, #tpu.memory_space<vmem>>[vector<16xi32>, vector<16xi32>], vector<16xf32>,
      %swap3A_122 = arith.constant 0 : i32
      %swap3A_123 = arith.index_cast %swap3A_122 : i32 to index
      %swap3A_124 = arith.index_cast %multiple_of3A_116 : i32 to index
      %swap3A_125 = tpu.vector_load %arg8[%swap3A_123, %swap3A_124] {strides = array<i32>} : memref<2x128xf32, #tpu.memory_space<vmem>>, vector<16xf32>,
      tpu.vector_store %arg8[%swap3A_123, %swap3A_124], %gather3A_121 {strides = array<i32>} : memref<2x128xf32, #tpu.memory_space<vmem>>, vector<16xf32>,
    }
    %scan3A_88 = arith.constant 8 : i32
    %dma_wait3A_89 = arith.constant 128 : i32
    %dma_wait3A_90 = arith.constant 0 : i32
    %dma_wait3A_91 = tpu.memref_slice %arg7[%dma_wait3A_89, %dma_wait3A_90] : memref<256x128xf32, #tpu.memory_space<vmem>> -> memref<128x128xf32, #tpu.memory_space<vmem>>
    %dma_wait3A_92 = arith.constant 0 : i32
    %dma_wait3A_93 = arith.constant 0 : i32
    %dma_wait3A_94 = tpu.memref_slice %arg2[%dma_wait3A_92, %dma_wait3A_93] : memref<128x32768xf32, #tpu.memory_space<hbm>> -> memref<128x128xf32, #tpu.memory_space<hbm>>
    %dma_wait3A_95 = arith.constant 128 : i32
    %dma_wait3A_96 = arith.constant 0 : i32
    %dma_wait3A_97 = tpu.memref_slice %arg7[%dma_wait3A_95, %dma_wait3A_96] : memref<256x128xf32, #tpu.memory_space<vmem>> -> memref<128x128xf32, #tpu.memory_space<vmem>>
    %dma_wait3A_98 = arith.constant 0 : i32
    %dma_wait3A_99 = arith.constant 0 : i32
    %dma_wait3A_100 = tpu.memref_slice %arg2[%dma_wait3A_98, %dma_wait3A_99] : memref<128x32768xf32, #tpu.memory_space<hbm>> -> memref<128x128xf32, #tpu.memory_space<hbm>>
    tpu.wait_dma2 semaphore(%arg12 : memref<!tpu.dma_semaphore, #tpu.memory_space<semaphore_mem>>) src(%dma_wait3A_100 : memref<128x128xf32, #tpu.memory_space<hbm>>) dst(%dma_wait3A_97 : memref<128x128xf32, #tpu.memory_space<vmem>>)
    %add3A_101 = arith.constant 1 : i32
    %add3A_102 = arith.addi %add3A_7, %add3A_101 : i32
    %broadcast_in_dim3A_103 = vector.broadcast %add3A_102 : i32 to vector<16xi32>
    %gather3A_104 = tpu.vector_load_idx %arg6[%broadcast_in_dim3A_103] : memref<64xi32, #tpu.memory_space<vmem>>[vector<16xi32>], vector<16xi32>,
    %scan3A_105 = arith.constant 0 : i32
    %scan3A_106 = arith.constant 0 : i32
    %scan3A_107 = arith.constant 8 : i32
    %scan3A_108 = arith.addi %scan3A_106, %scan3A_107 : i32
    %scan3A_109 = arith.constant 1 : i32
    scf.for %scan3A_113 = %scan3A_106 to %scan3A_108 step %scan3A_109  : i32 {
      %mul3A_114 = arith.constant 16 : i32
      %mul3A_115 = arith.muli %mul3A_114, %scan3A_113 : i32
      %multiple_of3A_116 = tpu.assume_multiple %mul3A_115, 16 : i32
      %add3A_117 = arith.constant 128 : i32
      %add3A_118 = arith.addi %add3A_117, %multiple_of3A_116 : i32
      %add3A_119 = vector.broadcast %add3A_118 : i32 to vector<16xi32>
      %add3A_120 = arith.addi %add3A_119, %iota3A : vector<16xi32>
      %gather3A_121 = tpu.vector_load_idx %arg7[%add3A_120, %gather3A_104] : memref<256x128xf32, #tpu.memory_space<vmem>>[vector<16xi32>, vector<16xi32>], vector<16xf32>,
      %swap3A_122 = arith.constant 1 : i32
      %swap3A_123 = arith.index_cast %swap3A_122 : i32 to index
      %swap3A_124 = arith.index_cast %multiple_of3A_116 : i32 to index
      %swap3A_125 = tpu.vector_load %arg8[%swap3A_123, %swap3A_124] {strides = array<i32>} : memref<2x128xf32, #tpu.memory_space<vmem>>, vector<16xf32>,
      tpu.vector_store %arg8[%swap3A_123, %swap3A_124], %gather3A_121 {strides = array<i32>} : memref<2x128xf32, #tpu.memory_space<vmem>>, vector<16xf32>,
    }
    %scan3A_110 = arith.constant 8 : i32
    "tpu.region"() ({
      %run_scoped3A = tpu.sem_alloc : memref<!tpu.dma_semaphore, #tpu.memory_space<semaphore_mem>>
      %dma_start3A_113 = arith.constant 0 : i32
      %dma_start3A_114 = arith.constant 0 : i32
      %dma_start3A_115 = tpu.memref_slice %arg10[%arg1, %dma_start3A_113, %dma_start3A_114] : memref<16x2x128xf32, #tpu.memory_space<vmem_shared>> -> memref<1x2x128xf32, #tpu.memory_space<vmem_shared>>
      %dma_start3A_116 = tpu.memref_squeeze %dma_start3A_115 : memref<1x2x128xf32, #tpu.memory_space<vmem_shared>> -> memref<2x128xf32, #tpu.memory_space<vmem_shared>>
      %dma_start3A_117 = arith.constant 0 : i32
      %dma_start3A_118 = arith.constant 0 : i32
      %dma_start3A_119 = tpu.memref_slice %arg10[%arg1, %dma_start3A_117, %dma_start3A_118] : memref<16x2x128xf32, #tpu.memory_space<vmem_shared>> -> memref<1x2x128xf32, #tpu.memory_space<vmem_shared>>
      %dma_start3A_120 = tpu.memref_squeeze %dma_start3A_119 : memref<1x2x128xf32, #tpu.memory_space<vmem_shared>> -> memref<2x128xf32, #tpu.memory_space<vmem_shared>>
      tpu.enqueue_dma source(%arg8 : memref<2x128xf32, #tpu.memory_space<vmem>>) target(%dma_start3A_120 : memref<2x128xf32, #tpu.memory_space<vmem_shared>>) target_semaphore(%run_scoped3A : memref<!tpu.dma_semaphore, #tpu.memory_space<semaphore_mem>>)
      %dma_wait3A_121 = arith.constant 0 : i32
      %dma_wait3A_122 = arith.constant 0 : i32
      %dma_wait3A_123 = tpu.memref_slice %arg10[%arg1, %dma_wait3A_121, %dma_wait3A_122] : memref<16x2x128xf32, #tpu.memory_space<vmem_shared>> -> memref<1x2x128xf32, #tpu.memory_space<vmem_shared>>
      %dma_wait3A_124 = tpu.memref_squeeze %dma_wait3A_123 : memref<1x2x128xf32, #tpu.memory_space<vmem_shared>> -> memref<2x128xf32, #tpu.memory_space<vmem_shared>>
      %dma_wait3A_125 = arith.constant 0 : i32
      %dma_wait3A_126 = arith.constant 0 : i32
      %dma_wait3A_127 = tpu.memref_slice %arg10[%arg1, %dma_wait3A_125, %dma_wait3A_126] : memref<16x2x128xf32, #tpu.memory_space<vmem_shared>> -> memref<1x2x128xf32, #tpu.memory_space<vmem_shared>>
      %dma_wait3A_128 = tpu.memref_squeeze %dma_wait3A_127 : memref<1x2x128xf32, #tpu.memory_space<vmem_shared>> -> memref<2x128xf32, #tpu.memory_space<vmem_shared>>
      tpu.wait_dma2 semaphore(%run_scoped3A : memref<!tpu.dma_semaphore, #tpu.memory_space<semaphore_mem>>) src(%arg8 : memref<2x128xf32, #tpu.memory_space<vmem>>) dst(%dma_wait3A_128 : memref<2x128xf32, #tpu.memory_space<vmem_shared>>)
      tpu.yield
    }) : () -> ()
    %barrier3A = arith.constant 0 : index
    tpu.barrier barrier_id(%barrier3A)
    %eq3A = arith.constant 0 : i32
    %eq3A_111 = arith.cmpi eq, %and3A_2, %eq3A : i32
    %convert_element_type3A = arith.extui %eq3A_111 : i1 to i32
    %cond3A = arith.constant 0 : i32
    %cond3A_112 = arith.cmpi ne, %convert_element_type3A, %cond3A : i32
    scf.if %cond3A_112 {
      %add3A_113 = arith.constant 0 : i32
      %add3A_114 = arith.addi %arg1, %add3A_113 : i32
      "tpu.region"() ({
        %run_scoped3A = tpu.sem_alloc : memref<!tpu.dma_semaphore, #tpu.memory_space<semaphore_mem>>
        %dma_start3A_124 = arith.constant 0 : i32
        %dma_start3A_125 = arith.constant 0 : i32
        %dma_start3A_126 = tpu.memref_slice %arg9[%dma_start3A_124, %dma_start3A_125] : memref<8x128xf32, #tpu.memory_space<vmem>> -> memref<2x128xf32, #tpu.memory_space<vmem>>
        %dma_start3A_127 = arith.constant 0 : i32
        %dma_start3A_128 = arith.constant 0 : i32
        %dma_start3A_129 = tpu.memref_slice %arg10[%add3A_114, %dma_start3A_127, %dma_start3A_128] : memref<16x2x128xf32, #tpu.memory_space<vmem_shared>> -> memref<1x2x128xf32, #tpu.memory_space<vmem_shared>>
        %dma_start3A_130 = tpu.memref_squeeze %dma_start3A_129 : memref<1x2x128xf32, #tpu.memory_space<vmem_shared>> -> memref<2x128xf32, #tpu.memory_space<vmem_shared>>
        %dma_start3A_131 = arith.constant 0 : i32
        %dma_start3A_132 = arith.constant 0 : i32
        %dma_start3A_133 = tpu.memref_slice %arg9[%dma_start3A_131, %dma_start3A_132] : memref<8x128xf32, #tpu.memory_space<vmem>> -> memref<2x128xf32, #tpu.memory_space<vmem>>
        %dma_start3A_134 = arith.constant 0 : i32
        %dma_start3A_135 = arith.constant 0 : i32
        %dma_start3A_136 = tpu.memref_slice %arg10[%add3A_114, %dma_start3A_134, %dma_start3A_135] : memref<16x2x128xf32, #tpu.memory_space<vmem_shared>> -> memref<1x2x128xf32, #tpu.memory_space<vmem_shared>>
        %dma_start3A_137 = tpu.memref_squeeze %dma_start3A_136 : memref<1x2x128xf32, #tpu.memory_space<vmem_shared>> -> memref<2x128xf32, #tpu.memory_space<vmem_shared>>
        tpu.enqueue_dma source(%dma_start3A_137 : memref<2x128xf32, #tpu.memory_space<vmem_shared>>) target(%dma_start3A_133 : memref<2x128xf32, #tpu.memory_space<vmem>>) target_semaphore(%run_scoped3A : memref<!tpu.dma_semaphore, #tpu.memory_space<semaphore_mem>>)
        %dma_wait3A_138 = arith.constant 0 : i32
        %dma_wait3A_139 = arith.constant 0 : i32
        %dma_wait3A_140 = tpu.memref_slice %arg9[%dma_wait3A_138, %dma_wait3A_139] : memref<8x128xf32, #tpu.memory_space<vmem>> -> memref<2x128xf32, #tpu.memory_space<vmem>>
        %dma_wait3A_141 = arith.constant 0 : i32
        %dma_wait3A_142 = arith.constant 0 : i32
        %dma_wait3A_143 = tpu.memref_slice %arg10[%add3A_114, %dma_wait3A_141, %dma_wait3A_142] : memref<16x2x128xf32, #tpu.memory_space<vmem_shared>> -> memref<1x2x128xf32, #tpu.memory_space<vmem_shared>>
        %dma_wait3A_144 = tpu.memref_squeeze %dma_wait3A_143 : memref<1x2x128xf32, #tpu.memory_space<vmem_shared>> -> memref<2x128xf32, #tpu.memory_space<vmem_shared>>
        %dma_wait3A_145 = arith.constant 0 : i32
        %dma_wait3A_146 = arith.constant 0 : i32
        %dma_wait3A_147 = tpu.memref_slice %arg9[%dma_wait3A_145, %dma_wait3A_146] : memref<8x128xf32, #tpu.memory_space<vmem>> -> memref<2x128xf32, #tpu.memory_space<vmem>>
        %dma_wait3A_148 = arith.constant 0 : i32
        %dma_wait3A_149 = arith.constant 0 : i32
        %dma_wait3A_150 = tpu.memref_slice %arg10[%add3A_114, %dma_wait3A_148, %dma_wait3A_149] : memref<16x2x128xf32, #tpu.memory_space<vmem_shared>> -> memref<1x2x128xf32, #tpu.memory_space<vmem_shared>>
        %dma_wait3A_151 = tpu.memref_squeeze %dma_wait3A_150 : memref<1x2x128xf32, #tpu.memory_space<vmem_shared>> -> memref<2x128xf32, #tpu.memory_space<vmem_shared>>
        tpu.wait_dma2 semaphore(%run_scoped3A : memref<!tpu.dma_semaphore, #tpu.memory_space<semaphore_mem>>) src(%dma_wait3A_151 : memref<2x128xf32, #tpu.memory_space<vmem_shared>>) dst(%dma_wait3A_147 : memref<2x128xf32, #tpu.memory_space<vmem>>)
        tpu.yield
      }) : () -> ()
      %add3A_115 = arith.constant 1 : i32
      %add3A_116 = arith.addi %arg1, %add3A_115 : i32
      "tpu.region"() ({
        %run_scoped3A = tpu.sem_alloc : memref<!tpu.dma_semaphore, #tpu.memory_space<semaphore_mem>>
        %dma_start3A_124 = arith.constant 2 : i32
        %dma_start3A_125 = arith.constant 0 : i32
        %dma_start3A_126 = tpu.memref_slice %arg9[%dma_start3A_124, %dma_start3A_125] : memref<8x128xf32, #tpu.memory_space<vmem>> -> memref<2x128xf32, #tpu.memory_space<vmem>>
        %dma_start3A_127 = arith.constant 0 : i32
        %dma_start3A_128 = arith.constant 0 : i32
        %dma_start3A_129 = tpu.memref_slice %arg10[%add3A_116, %dma_start3A_127, %dma_start3A_128] : memref<16x2x128xf32, #tpu.memory_space<vmem_shared>> -> memref<1x2x128xf32, #tpu.memory_space<vmem_shared>>
        %dma_start3A_130 = tpu.memref_squeeze %dma_start3A_129 : memref<1x2x128xf32, #tpu.memory_space<vmem_shared>> -> memref<2x128xf32, #tpu.memory_space<vmem_shared>>
        %dma_start3A_131 = arith.constant 2 : i32
        %dma_start3A_132 = arith.constant 0 : i32
        %dma_start3A_133 = tpu.memref_slice %arg9[%dma_start3A_131, %dma_start3A_132] : memref<8x128xf32, #tpu.memory_space<vmem>> -> memref<2x128xf32, #tpu.memory_space<vmem>>
        %dma_start3A_134 = arith.constant 0 : i32
        %dma_start3A_135 = arith.constant 0 : i32
        %dma_start3A_136 = tpu.memref_slice %arg10[%add3A_116, %dma_start3A_134, %dma_start3A_135] : memref<16x2x128xf32, #tpu.memory_space<vmem_shared>> -> memref<1x2x128xf32, #tpu.memory_space<vmem_shared>>
        %dma_start3A_137 = tpu.memref_squeeze %dma_start3A_136 : memref<1x2x128xf32, #tpu.memory_space<vmem_shared>> -> memref<2x128xf32, #tpu.memory_space<vmem_shared>>
        tpu.enqueue_dma source(%dma_start3A_137 : memref<2x128xf32, #tpu.memory_space<vmem_shared>>) target(%dma_start3A_133 : memref<2x128xf32, #tpu.memory_space<vmem>>) target_semaphore(%run_scoped3A : memref<!tpu.dma_semaphore, #tpu.memory_space<semaphore_mem>>)
        %dma_wait3A_138 = arith.constant 2 : i32
        %dma_wait3A_139 = arith.constant 0 : i32
        %dma_wait3A_140 = tpu.memref_slice %arg9[%dma_wait3A_138, %dma_wait3A_139] : memref<8x128xf32, #tpu.memory_space<vmem>> -> memref<2x128xf32, #tpu.memory_space<vmem>>
        %dma_wait3A_141 = arith.constant 0 : i32
        %dma_wait3A_142 = arith.constant 0 : i32
        %dma_wait3A_143 = tpu.memref_slice %arg10[%add3A_116, %dma_wait3A_141, %dma_wait3A_142] : memref<16x2x128xf32, #tpu.memory_space<vmem_shared>> -> memref<1x2x128xf32, #tpu.memory_space<vmem_shared>>
        %dma_wait3A_144 = tpu.memref_squeeze %dma_wait3A_143 : memref<1x2x128xf32, #tpu.memory_space<vmem_shared>> -> memref<2x128xf32, #tpu.memory_space<vmem_shared>>
        %dma_wait3A_145 = arith.constant 2 : i32
        %dma_wait3A_146 = arith.constant 0 : i32
        %dma_wait3A_147 = tpu.memref_slice %arg9[%dma_wait3A_145, %dma_wait3A_146] : memref<8x128xf32, #tpu.memory_space<vmem>> -> memref<2x128xf32, #tpu.memory_space<vmem>>
        %dma_wait3A_148 = arith.constant 0 : i32
        %dma_wait3A_149 = arith.constant 0 : i32
        %dma_wait3A_150 = tpu.memref_slice %arg10[%add3A_116, %dma_wait3A_148, %dma_wait3A_149] : memref<16x2x128xf32, #tpu.memory_space<vmem_shared>> -> memref<1x2x128xf32, #tpu.memory_space<vmem_shared>>
        %dma_wait3A_151 = tpu.memref_squeeze %dma_wait3A_150 : memref<1x2x128xf32, #tpu.memory_space<vmem_shared>> -> memref<2x128xf32, #tpu.memory_space<vmem_shared>>
        tpu.wait_dma2 semaphore(%run_scoped3A : memref<!tpu.dma_semaphore, #tpu.memory_space<semaphore_mem>>) src(%dma_wait3A_151 : memref<2x128xf32, #tpu.memory_space<vmem_shared>>) dst(%dma_wait3A_147 : memref<2x128xf32, #tpu.memory_space<vmem>>)
        tpu.yield
      }) : () -> ()
      %add3A_117 = arith.constant 2 : i32
      %add3A_118 = arith.addi %arg1, %add3A_117 : i32
      "tpu.region"() ({
        %run_scoped3A = tpu.sem_alloc : memref<!tpu.dma_semaphore, #tpu.memory_space<semaphore_mem>>
        %dma_start3A_124 = arith.constant 4 : i32
        %dma_start3A_125 = arith.constant 0 : i32
        %dma_start3A_126 = tpu.memref_slice %arg9[%dma_start3A_124, %dma_start3A_125] : memref<8x128xf32, #tpu.memory_space<vmem>> -> memref<2x128xf32, #tpu.memory_space<vmem>>
        %dma_start3A_127 = arith.constant 0 : i32
        %dma_start3A_128 = arith.constant 0 : i32
        %dma_start3A_129 = tpu.memref_slice %arg10[%add3A_118, %dma_start3A_127, %dma_start3A_128] : memref<16x2x128xf32, #tpu.memory_space<vmem_shared>> -> memref<1x2x128xf32, #tpu.memory_space<vmem_shared>>
        %dma_start3A_130 = tpu.memref_squeeze %dma_start3A_129 : memref<1x2x128xf32, #tpu.memory_space<vmem_shared>> -> memref<2x128xf32, #tpu.memory_space<vmem_shared>>
        %dma_start3A_131 = arith.constant 4 : i32
        %dma_start3A_132 = arith.constant 0 : i32
        %dma_start3A_133 = tpu.memref_slice %arg9[%dma_start3A_131, %dma_start3A_132] : memref<8x128xf32, #tpu.memory_space<vmem>> -> memref<2x128xf32, #tpu.memory_space<vmem>>
        %dma_start3A_134 = arith.constant 0 : i32
        %dma_start3A_135 = arith.constant 0 : i32
        %dma_start3A_136 = tpu.memref_slice %arg10[%add3A_118, %dma_start3A_134, %dma_start3A_135] : memref<16x2x128xf32, #tpu.memory_space<vmem_shared>> -> memref<1x2x128xf32, #tpu.memory_space<vmem_shared>>
        %dma_start3A_137 = tpu.memref_squeeze %dma_start3A_136 : memref<1x2x128xf32, #tpu.memory_space<vmem_shared>> -> memref<2x128xf32, #tpu.memory_space<vmem_shared>>
        tpu.enqueue_dma source(%dma_start3A_137 : memref<2x128xf32, #tpu.memory_space<vmem_shared>>) target(%dma_start3A_133 : memref<2x128xf32, #tpu.memory_space<vmem>>) target_semaphore(%run_scoped3A : memref<!tpu.dma_semaphore, #tpu.memory_space<semaphore_mem>>)
        %dma_wait3A_138 = arith.constant 4 : i32
        %dma_wait3A_139 = arith.constant 0 : i32
        %dma_wait3A_140 = tpu.memref_slice %arg9[%dma_wait3A_138, %dma_wait3A_139] : memref<8x128xf32, #tpu.memory_space<vmem>> -> memref<2x128xf32, #tpu.memory_space<vmem>>
        %dma_wait3A_141 = arith.constant 0 : i32
        %dma_wait3A_142 = arith.constant 0 : i32
        %dma_wait3A_143 = tpu.memref_slice %arg10[%add3A_118, %dma_wait3A_141, %dma_wait3A_142] : memref<16x2x128xf32, #tpu.memory_space<vmem_shared>> -> memref<1x2x128xf32, #tpu.memory_space<vmem_shared>>
        %dma_wait3A_144 = tpu.memref_squeeze %dma_wait3A_143 : memref<1x2x128xf32, #tpu.memory_space<vmem_shared>> -> memref<2x128xf32, #tpu.memory_space<vmem_shared>>
        %dma_wait3A_145 = arith.constant 4 : i32
        %dma_wait3A_146 = arith.constant 0 : i32
        %dma_wait3A_147 = tpu.memref_slice %arg9[%dma_wait3A_145, %dma_wait3A_146] : memref<8x128xf32, #tpu.memory_space<vmem>> -> memref<2x128xf32, #tpu.memory_space<vmem>>
        %dma_wait3A_148 = arith.constant 0 : i32
        %dma_wait3A_149 = arith.constant 0 : i32
        %dma_wait3A_150 = tpu.memref_slice %arg10[%add3A_118, %dma_wait3A_148, %dma_wait3A_149] : memref<16x2x128xf32, #tpu.memory_space<vmem_shared>> -> memref<1x2x128xf32, #tpu.memory_space<vmem_shared>>
        %dma_wait3A_151 = tpu.memref_squeeze %dma_wait3A_150 : memref<1x2x128xf32, #tpu.memory_space<vmem_shared>> -> memref<2x128xf32, #tpu.memory_space<vmem_shared>>
        tpu.wait_dma2 semaphore(%run_scoped3A : memref<!tpu.dma_semaphore, #tpu.memory_space<semaphore_mem>>) src(%dma_wait3A_151 : memref<2x128xf32, #tpu.memory_space<vmem_shared>>) dst(%dma_wait3A_147 : memref<2x128xf32, #tpu.memory_space<vmem>>)
        tpu.yield
      }) : () -> ()
      %add3A_119 = arith.constant 3 : i32
      %add3A_120 = arith.addi %arg1, %add3A_119 : i32
      "tpu.region"() ({
        %run_scoped3A = tpu.sem_alloc : memref<!tpu.dma_semaphore, #tpu.memory_space<semaphore_mem>>
        %dma_start3A_124 = arith.constant 6 : i32
        %dma_start3A_125 = arith.constant 0 : i32
        %dma_start3A_126 = tpu.memref_slice %arg9[%dma_start3A_124, %dma_start3A_125] : memref<8x128xf32, #tpu.memory_space<vmem>> -> memref<2x128xf32, #tpu.memory_space<vmem>>
        %dma_start3A_127 = arith.constant 0 : i32
        %dma_start3A_128 = arith.constant 0 : i32
        %dma_start3A_129 = tpu.memref_slice %arg10[%add3A_120, %dma_start3A_127, %dma_start3A_128] : memref<16x2x128xf32, #tpu.memory_space<vmem_shared>> -> memref<1x2x128xf32, #tpu.memory_space<vmem_shared>>
        %dma_start3A_130 = tpu.memref_squeeze %dma_start3A_129 : memref<1x2x128xf32, #tpu.memory_space<vmem_shared>> -> memref<2x128xf32, #tpu.memory_space<vmem_shared>>
        %dma_start3A_131 = arith.constant 6 : i32
        %dma_start3A_132 = arith.constant 0 : i32
        %dma_start3A_133 = tpu.memref_slice %arg9[%dma_start3A_131, %dma_start3A_132] : memref<8x128xf32, #tpu.memory_space<vmem>> -> memref<2x128xf32, #tpu.memory_space<vmem>>
        %dma_start3A_134 = arith.constant 0 : i32
        %dma_start3A_135 = arith.constant 0 : i32
        %dma_start3A_136 = tpu.memref_slice %arg10[%add3A_120, %dma_start3A_134, %dma_start3A_135] : memref<16x2x128xf32, #tpu.memory_space<vmem_shared>> -> memref<1x2x128xf32, #tpu.memory_space<vmem_shared>>
        %dma_start3A_137 = tpu.memref_squeeze %dma_start3A_136 : memref<1x2x128xf32, #tpu.memory_space<vmem_shared>> -> memref<2x128xf32, #tpu.memory_space<vmem_shared>>
        tpu.enqueue_dma source(%dma_start3A_137 : memref<2x128xf32, #tpu.memory_space<vmem_shared>>) target(%dma_start3A_133 : memref<2x128xf32, #tpu.memory_space<vmem>>) target_semaphore(%run_scoped3A : memref<!tpu.dma_semaphore, #tpu.memory_space<semaphore_mem>>)
        %dma_wait3A_138 = arith.constant 6 : i32
        %dma_wait3A_139 = arith.constant 0 : i32
        %dma_wait3A_140 = tpu.memref_slice %arg9[%dma_wait3A_138, %dma_wait3A_139] : memref<8x128xf32, #tpu.memory_space<vmem>> -> memref<2x128xf32, #tpu.memory_space<vmem>>
        %dma_wait3A_141 = arith.constant 0 : i32
        %dma_wait3A_142 = arith.constant 0 : i32
        %dma_wait3A_143 = tpu.memref_slice %arg10[%add3A_120, %dma_wait3A_141, %dma_wait3A_142] : memref<16x2x128xf32, #tpu.memory_space<vmem_shared>> -> memref<1x2x128xf32, #tpu.memory_space<vmem_shared>>
        %dma_wait3A_144 = tpu.memref_squeeze %dma_wait3A_143 : memref<1x2x128xf32, #tpu.memory_space<vmem_shared>> -> memref<2x128xf32, #tpu.memory_space<vmem_shared>>
        %dma_wait3A_145 = arith.constant 6 : i32
        %dma_wait3A_146 = arith.constant 0 : i32
        %dma_wait3A_147 = tpu.memref_slice %arg9[%dma_wait3A_145, %dma_wait3A_146] : memref<8x128xf32, #tpu.memory_space<vmem>> -> memref<2x128xf32, #tpu.memory_space<vmem>>
        %dma_wait3A_148 = arith.constant 0 : i32
        %dma_wait3A_149 = arith.constant 0 : i32
        %dma_wait3A_150 = tpu.memref_slice %arg10[%add3A_120, %dma_wait3A_148, %dma_wait3A_149] : memref<16x2x128xf32, #tpu.memory_space<vmem_shared>> -> memref<1x2x128xf32, #tpu.memory_space<vmem_shared>>
        %dma_wait3A_151 = tpu.memref_squeeze %dma_wait3A_150 : memref<1x2x128xf32, #tpu.memory_space<vmem_shared>> -> memref<2x128xf32, #tpu.memory_space<vmem_shared>>
        tpu.wait_dma2 semaphore(%run_scoped3A : memref<!tpu.dma_semaphore, #tpu.memory_space<semaphore_mem>>) src(%dma_wait3A_151 : memref<2x128xf32, #tpu.memory_space<vmem_shared>>) dst(%dma_wait3A_147 : memref<2x128xf32, #tpu.memory_space<vmem>>)
        tpu.yield
      }) : () -> ()
      %mul3A_121 = arith.constant 8 : i32
      %mul3A_122 = arith.muli %add3A, %mul3A_121 : i32
      %multiple_of3A_123 = tpu.assume_multiple %mul3A_122, 8 : i32
      "tpu.region"() ({
        %run_scoped3A = tpu.sem_alloc : memref<!tpu.dma_semaphore, #tpu.memory_space<semaphore_mem>>
        %dma_start3A_124 = arith.constant 0 : i32
        %dma_start3A_125 = tpu.memref_slice %arg4[%multiple_of3A_123, %dma_start3A_124] : memref<64x128xf32, #tpu.memory_space<hbm>> -> memref<8x128xf32, #tpu.memory_space<hbm>>
        %dma_start3A_126 = arith.constant 0 : i32
        %dma_start3A_127 = tpu.memref_slice %arg4[%multiple_of3A_123, %dma_start3A_126] : memref<64x128xf32, #tpu.memory_space<hbm>> -> memref<8x128xf32, #tpu.memory_space<hbm>>
        tpu.enqueue_dma source(%arg9 : memref<8x128xf32, #tpu.memory_space<vmem>>) target(%dma_start3A_127 : memref<8x128xf32, #tpu.memory_space<hbm>>) target_semaphore(%run_scoped3A : memref<!tpu.dma_semaphore, #tpu.memory_space<semaphore_mem>>)
        %dma_wait3A_128 = arith.constant 0 : i32
        %dma_wait3A_129 = tpu.memref_slice %arg4[%multiple_of3A_123, %dma_wait3A_128] : memref<64x128xf32, #tpu.memory_space<hbm>> -> memref<8x128xf32, #tpu.memory_space<hbm>>
        %dma_wait3A_130 = arith.constant 0 : i32
        %dma_wait3A_131 = tpu.memref_slice %arg4[%multiple_of3A_123, %dma_wait3A_130] : memref<64x128xf32, #tpu.memory_space<hbm>> -> memref<8x128xf32, #tpu.memory_space<hbm>>
        tpu.wait_dma2 semaphore(%run_scoped3A : memref<!tpu.dma_semaphore, #tpu.memory_space<semaphore_mem>>) src(%arg9 : memref<8x128xf32, #tpu.memory_space<vmem>>) dst(%dma_wait3A_131 : memref<8x128xf32, #tpu.memory_space<hbm>>)
        tpu.yield
      }) : () -> ()
    } else {
    }
    return
  }
}

</mosaic_0001>

<sc_bundles>
// kernel: kernel.3.cloned.1.call-start
scs
__scs_entry_jumppad:
0x0: {  	(pc) =	sbr.rel $0x88, $3  }
0x1: {  	(tag) =	ssettag $0x0;
	lr =	simm.s32 $0x1  }
0x2: {  	[smem:$0x3F9F] =	sst lr;
	_ =	strace $0xD0000000  }
0x3: {  	_ = 	snop  }
0x4: {  	_ = 	snop  }
0x5: {  	_ = 	snop  }
0x6: {  	_ = 	snop  }
0x7: {  	_ = 	snop  }
__scs_overlays_trampoline_lowered:
0x8: {  	[smem:$0x3FAE] =	sst s0  }
0x9: {  	[smem:$0x3FAF] =	sst s1  }
0xa: {  	[smem:$0x3FB0] =	sst s2  }
0xb: {  	[smem:$0x3FB1] =	sst s3  }
0xc: {  	[smem:$0x3FB2] =	sst s4  }
0xd: {  	[smem:$0x3FB3] =	sst s5  }
0xe: {  	[smem:$0x3FB4] =	sst s6  }
0xf: {  	[smem:$0x3FB5] =	sst s7  }
0x10: {  	[smem:$0x3FB6] =	sst s8  }
0x11: {  	[smem:$0x3FB7] =	sst s9;
	s0 =	simm.s32 @!p0 $0x0  }
0x12: {  	s1 =	sld [smem:$0x3F9D];
	s0 =	simm.s32 @p0 $0x1  }
0x13: {  	[smem:$0x3FB8] =	sst s0;
	s0 =	simm.s32 @!p1 $0x0  }
0x14: {  	s2 =	sld [smem:$0x3F9C];
	s0 =	simm.s32 @p1 $0x1  }
0x15: {  	[smem:$0x3FB9] =	sst s0;
	s0 =	simm.s32 @!p2 $0x0  }
0x16: {  	s3 =	sld [smem:$0x3FDB];
	s0 =	simm.s32 @p2 $0x1  }
0x17: {  	s4 =	simm.s32 $0x1BF5;
	[smem:$0x3FBB] =	sst s0  }
0x18: {  	s0 =	sld [smem:$0x3F9E];
	_ =	swait.ge [sflag:s4], $0x0  }
0x19: {  	s7 =	sld [smem:$0x3F9F]  }
0x1a: {  	s8 =	sadd.s32 $0xFFFFE003, lr  }
0x1b: {  	s9 =	sadd.s32 $0xFFFFFEF7, lr;
	s5 =	simm.s32 $0xFFFFFFFF;
	p2 =	slt.u32 s8, $0xFFFFF086  }
0x1c: {  	p1 =	slt.u32 s9, $0xF7A;
	s5 =	simm.s32 @!p2 $0x0  }
0x1d: {  	s5 =	simm.s32 @p1 $0x1;
	p0 =	seq.s32 s7, s2  }
0x1e: {  	s7 =	smul.u32 @!p0 $0xF7A, s2;
	p2 =	seq.s32 @!p0 s5, $0x0  }
0x1f: {  	s9 =	smul.u32 $0xF7A, s1;
	s8 =	simm.s32 @!p0 $0x1BF5;
	p2 =	por !p2, p0  }
0x20: {  	[sflag:s8] =	ssyncset.s32 @!p0 $0xFFFFF086;
	s6 =	sadd.s32 @!p0 s3, s7;
	s7 =	simm.s32 @!p0 $0x108  }
0x21: {  	s3 =	sadd.s32 s3, s9;
	s6 =	sadd.s32 @!p0 $0x88, s6;
	s7 =	simm.s32 @p2 $0x1082  }
0x22: {  	[simem:s7], [sflag:s8] =	dma.local @!p0 [hbm:s6], $0xF7A  }
0x23: {  	s9 =	sor.u32 $0xD0000000, s2;
	s6 =	simm.s32 $0x108;
	_ =	swait.ge @!p0 [sflag:s8], $0x0  }
0x24: {  	s3 =	sadd.s32 $0x88, s3;
	s6 =	simm.s32 @!p1 $0x1082;
	[sflag:s4] =	ssyncset.s32 $0xFFFFF086  }
0x25: {  	[simem:s6], [sflag:s4] =	dma.local [hbm:s3], $0xF7A  }
0x26: {  	[smem:$0x3F9F] =	sst s1;
	(tag) =	ssettag s2;
	_ =	strace s9  }
0x27: {  	s1 =	sld [smem:$0x3FAF]  }
0x28: {  	s2 =	sld [smem:$0x3FB0]  }
0x29: {  	s4 =	sld [smem:$0x3FB2]  }
0x2a: {  	p0 =	seq.s32 s5, $0x0;
	s5 =	sld [smem:$0x3FB3]  }
0x2b: {  	s6 =	sld [smem:$0x3FB4]  }
0x2c: {  	s7 =	sld [smem:$0x3FB5]  }
0x2d: {  	s3 =	simm.s32 $0x108;
	s8 =	sld [smem:$0x3FB6]  }
0x2e: {  	s3 =	simm.s32 @!p0 $0x1082;
	s9 =	sld [smem:$0x3FB7]  }
0x2f: {  	lr =	sadd.s32 s0, s3;
	s0 =	sld [smem:$0x3FAE]  }
0x30: {  	s3 =	sld [smem:$0x3FB1]  }
0x31: {  	[smem:$0x3FBA] =	sst s10  }
0x32: {  	s10 =	sld [smem:$0x3FB8];
	_ =	sdelay $0x3  }
0x33: {  	p0 =	seq.s32 s10, $0x1;
	s10 =	sld [smem:$0x3FBA];
	_ =	sdelay $0x3  }
0x34: {  	[smem:$0x3FBA] =	sst s10  }
0x35: {  	s10 =	sld [smem:$0x3FB9];
	_ =	sdelay $0x3  }
0x36: {  	p1 =	seq.s32 s10, $0x1;
	s10 =	sld [smem:$0x3FBA];
	_ =	sdelay $0x3  }
0x37: {  	[smem:$0x3FBA] =	sst s10  }
0x38: {  	s10 =	sld [smem:$0x3FBB]  }
0x39: {  	_ = 	snop;
	(pc) =	sbr.ind lr, $3  }
0x3a: {  	_ = 	snop  }
0x3b: {  	_ = 	snop  }
0x3c: {  	p2 =	seq.s32 s10, $0x1;
	s10 =	sld [smem:$0x3FBA]  }
0x3d: {  	_ =	shalt  }
0x3e: {  	_ =	shalt  }
0x3f: {  	_ =	shalt  }
0x40: {  	_ =	shalt  }
0x41: {  	_ =	shalt  }
0x42: {  	_ =	shalt  }
0x43: {  	_ =	shalt  }
0x44: {  	_ =	shalt  }
0x45: {  	_ =	shalt  }
0x46: {  	_ =	shalt  }
0x47: {  	_ =	shalt  }
0x48: {  	_ =	shalt  }
0x49: {  	_ =	shalt  }
0x4a: {  	_ =	shalt  }
0x4b: {  	_ =	shalt  }
0x4c: {  	_ =	shalt  }
0x4d: {  	_ =	shalt  }
0x4e: {  	_ =	shalt  }
0x4f: {  	_ =	shalt  }
0x50: {  	_ =	shalt  }
0x51: {  	_ =	shalt  }
0x52: {  	_ =	shalt  }
0x53: {  	_ =	shalt  }
0x54: {  	_ =	shalt  }
0x55: {  	_ =	shalt  }
0x56: {  	_ =	shalt  }
0x57: {  	_ =	shalt  }
0x58: {  	_ =	shalt  }
0x59: {  	_ =	shalt  }
0x5a: {  	_ =	shalt  }
0x5b: {  	_ =	shalt  }
0x5c: {  	_ =	shalt  }
0x5d: {  	_ =	shalt  }
0x5e: {  	_ =	shalt  }
0x5f: {  	_ =	shalt  }
0x60: {  	_ =	shalt  }
0x61: {  	_ =	shalt  }
0x62: {  	_ =	shalt  }
0x63: {  	_ =	shalt  }
0x64: {  	_ =	shalt  }
0x65: {  	_ =	shalt  }
0x66: {  	_ =	shalt  }
0x67: {  	_ =	shalt  }
0x68: {  	_ =	shalt  }
0x69: {  	_ =	shalt  }
0x6a: {  	_ =	shalt  }
0x6b: {  	_ =	shalt  }
0x6c: {  	_ =	shalt  }
0x6d: {  	_ =	shalt  }
0x6e: {  	_ =	shalt  }
0x6f: {  	_ =	shalt  }
0x70: {  	_ =	shalt  }
0x71: {  	_ =	shalt  }
0x72: {  	_ =	shalt  }
0x73: {  	_ =	shalt  }
0x74: {  	_ =	shalt  }
0x75: {  	_ =	shalt  }
0x76: {  	_ =	shalt  }
0x77: {  	_ =	shalt  }
0x78: {  	_ =	shalt  }
0x79: {  	_ =	shalt  }
0x7a: {  	_ =	shalt  }
0x7b: {  	_ =	shalt  }
0x7c: {  	_ =	shalt  }
0x7d: {  	_ =	shalt  }
0x7e: {  	_ =	shalt  }
0x7f: {  	_ =	shalt  }
0x80: {  	_ =	shalt  }
0x81: {  	_ =	shalt  }
0x82: {  	_ =	shalt  }
0x83: {  	_ =	shalt  }
0x84: {  	_ =	shalt  }
0x85: {  	_ =	shalt  }
0x86: {  	_ =	shalt  }
0x87: {  	_ =	shalt  }
.Lfunc_end0:
.L_simem_size_0:
called_computation_lowered:
.L_overlay_start_0:
0x88: {  	s2 =	sld [smem:$0x3FD9]  }
0x89: {  	s3 =	sld [smem:$0x3FFE];
	_ =	sdelay $0x1  }
0x8a: {  	s1 =	srdreg.scid  }
0x8b: {  	s0 =	sand.u32 $0x1, s1  }
0x8c: {  	s18 =	sshll.u32 s0, $0xA;
	s2 =	sadd.s32 s3, s2  }
0x8d: {  	s2 =	sadd.s32 s2, s18  }
0x8e: {  	[smem:$0x3FC6] =	sst s2  }
0x8f: {  	_ = 	snop  }
0x90: {  	s2 =	sld [smem:$0x3FC9]  }
0x91: {  	s19 =	sld [smem:$0x3FC8]  }
0x92: {  	s4 =	sld [smem:$0x3FD0];
	(tm) =	ssettm $0x1  }
0x93: {  	s5 =	sld [smem:$0x3FFB];
	_ =	sdelay $0x3  }
0x94: {  	_ =	strace s5  }
0x95: {  	s5 =	sld [smem:$0x3FFC];
	_ =	sdelay $0x3  }
0x96: {  	_ =	strace s5  }
0x97: {  	s5 =	sld [smem:$0x3FFD];
	_ =	sdelay $0x3  }
0x98: {  	_ =	strace s5  }
0x99: {  	_ =	strace $0x8FFFFFFF  }
0x9a: {  	s20 =	sld [smem:$0x3FDB];
	_ =	sdelay $0x1  }
0x9b: {  	s6 =	simm.s32 $_scs_section_size  }
0x9c: {  	s7 =	simm.s32 $_size__tile_overlayer_lowered;
	s8 =	simm.s32 $_tile_overlayer_lowered  }
0x9d: {  	s23 =	simm.s32 $0x1BFF;
	s22 =	sshll.u32 s8, $0x1;
	s5 =	sadd.s32 s6, s20  }
0x9e: {  	s9 =	simm.s32 $0x0;
	s21 =	sshll.u32 s7, $0x1;
	s7 =	sadd.s32 s22, s5  }
0x9f: {  	[timem:s9], [sflag:s23] =	dma.local [hbm:s7], s21  }
0xa0: {  	_ =	swait.ge [sflag:s23], s21  }
0xa1: {  	s6 =	ssub.s32 $0x0, s21;
	[sflag:s23] =	ssyncset.done $0x0  }
0xa2: {  	[sflag:s23] =	ssyncadd.s32 s6;
	_ =	sdelay $0x1  }
0xa3: {  	s24 =	simm.s32 $0x1B8B  }
0xa4: {  	_ =	swait.ge [sflag:s24], $0x1  }
0xa5: {  	[sflag:s24] =	ssyncset.done $0x0  }
0xa6: {  	s25 =	simm.s32 $0x1B8E;
	[sflag:s24] =	ssyncadd.s32 $0xFFFFFFFF  }
0xa7: {  	s26 =	simm.s32 $execute0_lowered;
	[smem:$0x3FD2] =	sst s25  }
0xa8: {  	s6 =	sshll.u32 s26, $0x1;
	_ =	strace $0x80000046;
	[dreg:$0x1] =	wrdreg $0xFFFFFFFF  }
0xa9: {  	s28 =	simm.s32 $_size_execute0_lowered;
	s5 =	sadd.s32 s5, s6;
	[dreg:$0x0] =	wrdreg $0x0  }
0xaa: {  	s6 =	sshll.u32 s28, $0x1;
	[dreg:$0x2] =	wrdreg s5  }
0xab: {  	[dreg:$0x3] =	wrdreg s6  }
0xac: {  	[dreg:$0x4] =	wrdreg $0xC0  }
0xad: {  	_ =	task [dreg:s9], $0x5FFFF  }
0xae: {  	[dreg:$0x1] =	wrdreg $0xFFFFFFFF  }
0xaf: {  	[dreg:$0x0] =	wrdreg $0x60  }
0xb0: {  	[dreg:$0x2] =	wrdreg s2  }
0xb1: {  	[dreg:$0x3] =	wrdreg s19  }
0xb2: {  	[dreg:$0x4] =	wrdreg s4  }
0xb3: {  	[dreg:$0x5] =	wrdreg $0x86000  }
0xb4: {  	[dreg:$0x6] =	wrdreg $0x9  }
0xb5: {  	_ =	task.clear_ibuf [dreg:s9], $0x7FFFF;
	_ =	strace $0x90000046  }
0xb6: {  	s29 =	simm.s32 $0x9;
	_ =	strace $0x80000048  }
0xb7: {  	_ =	swait.ge [sflag:s29], $0x1  }
0xb8: {  	[sflag:s29] =	ssyncadd.s32 $0xFFFFFFFF  }
0xb9: {  	_ =	strace $0x90000048  }
0xba: {  	_ =	sfence  }
0xbb: {  	s30 =	sld [smem:$0x0];
	_ =	sdelay $0x2  }
0xbc: {  	s31 =	sshll.u32 s1, $0xD;
	s1 =	sshrl.u32 s1, $0x2  }
0xbd: {  	s3 =	sand.u32 $0x4000, s31;
	s1 =	sadd.s32 s1, s30  }
0xbe: {  	s0 =	sor.u32 s3, s0;
	s1 =	sshll.u32 s1, $0x11  }
0xbf: {  	s0 =	sor.u32 s1, s0  }
0xc0: {  	s0 =	sadd.s32 $0x8F2B, s0  }
0xc1: {  	[sflag:s0] =	ssyncadd.remote.s32 $0x1  }
0xc2: {  	_ =	sfence.sel $0xFFFF  }
0xc3: {  	[dreg:$0x0] =	wrdreg $0xFFFFFFFF;
	(pc) =	sbr.abs _section_cstart, $3  }
0xc4: {  	[dreg:$0x1] =	wrdreg $0xFFFFFFFF  }
0xc5: {  	_ =	task.clear_ibuf [dreg:s9], $0x2FFFF;
	_ =	strace $0x9FFFFFFF  }
0xc6: {  	(tm) =	ssettm $0x7FFFFFFF  }
0xc7: {  	_ =	shalt  }
tec
execute0_lowered:
.L_overlay_start_1:
0x0: {  	(tag) =	ssettag $0x1  }
0x1: {  	s1 =	rddreg [dreg:$0x0]  }
0x2: {  	s2 =	rddreg [dreg:$0x1]  }
0x3: {  	s9 =	rddreg [dreg:$0x2]  }
0x4: {  	s5 =	rddreg [dreg:$0x3];
	s3 =	srdreg.scid  }
0x5: {  	s0 =	rddreg [dreg:$0x4];
	s4 =	simm.s32 $0x0;
	s14 =	simm.s32 $0x100  }
0x6: {  	s15 =	simm.s32 $0x4100;
	s16 =	simm.s32 $0x1;
	s17 =	simm.s32 $0x80  }
0x7: {  	s19 =	simm.s32 $0x8100;
	s20 =	simm.s32 $0x0;
	s6 =	sand.u32 $0x1, s3  }
0x8: {  	[smem:$0x7FF] =	sst s4;
	s3 =	stileid.u32;
	s7 =	ssub.s32 $0x2, s6  }
0x9: {  	_ =	strace $0x80000047;
	s10 =	sshll.u32 s3, $0x1;
	s18 =	sand.u32 $0x3, s3  }
0xa: {  	v0 =	vlaneseq.u32;
	s6 =	sshll.u32 s6, $0x5;
	s11 =	sshll.u32 s3, $0x8;
	s8 =	sshrl.u32 s7, $0x1  }
0xb: {  	v0 =	vmul.u32 $0x80, v0;
	s10 =	sand.u32 $0x18, s10;
	s30 =	sshll.u32 s18, $0x1;
	s5 =	sadd.s32 s11, s5  }
0xc: {  	s11 =	simm.s32 $0x3;
	p0 =	sne.s32 s18, $0x0;
	s18 =	simm.s32 $0x2  }
0xd: {  	v3 =	vor.u32 $0x4000, v0;
	v4 =	vor.u32 $0x4800, v0;
	s10 =	sor.u32 s6, s10;
	s12 =	ssub.s32 s7, s8;
	s6 =	sadd.s32 $0x100, s5  }
0xe: {  	v5 =	vor.u32 $0x5000, v0;
	v6 =	vor.u32 $0x5800, v0;
	v7 =	vor.u32 $0x6000, v0;
	s7 =	sadd.s32 $0x200, s5;
	s31 =	sor.u32 s30, s10;
	s10 =	sshll.u32 s10, $0x4  }
0xf: {  	v8 =	vor.u32 $0x6800, v0;
	v9 =	vor.u32 $0x7000, v0;
	s8 =	sadd.s32 $0x300, s5;
	s13 =	sor.u32 $0x1, s31;
	v1 =	vmov s31;
	s9 =	sadd.s32 s9, s10  }
0x10: {  	v10 =	vor.u32 $0x7800, v0;
	s10 =	smax.u32 s12, $0x1;
	s12 =	simm.s32 $0x400;
	v1 =	vbroadcast v1, $0x0;
	v2 =	vmov s13;
	s13 =	simm.s32 $0x40000  }
.LBB2_1:
0x11: {  	[tilespmem:s4], [sflag:$0x3] =	stream.linear.gather [hbm4b:s2+s4], $0x80, $0x38;
	[tilespmem:$0x8700] =	vst v63  }
0x12: {  	_ =	swait.ge [sflag:s11], $0x80  }
0x13: {  	[sflag:s11] =	ssyncset.done $0x0  }
0x14: {  	[sflag:s11] =	ssyncadd.s32 $0xFFFFFF80  }
0x15: {  	v11 =	vld [tilespmem:$0x0]  }
0x16: {  	v12 =	vld [tilespmem:$0x10]  }
0x17: {  	v13 =	vld [tilespmem:$0x20]  }
0x18: {  	v14 =	vld [tilespmem:$0x30];
	_ =	sdelay $0x1  }
0x19: {  	v11 =	vand.u32 $0x7F, v11  }
0x1a: {  	[tilespmem:$0x80] =	vst v11;
	v11 =	vand.u32 $0x7F, v12  }
0x1b: {  	[tilespmem:$0x90] =	vst v11;
	v11 =	vand.u32 $0x7F, v13  }
0x1c: {  	[tilespmem:$0xA0] =	vst v11;
	v11 =	vand.u32 $0x7F, v14  }
0x1d: {  	[tilespmem:$0xB0] =	vst v11  }
0x1e: {  	v11 =	vld.idx.msk [tilespmem:v1+s4+$0x0], $0xffff;
	_ =	sdelay $0x4  }
0x1f: {  	(v2sf) =	vpush v11, $0x0;
	_ =	sdelay $0xe  }
0x20: {  	s21 =	spop (v2sf)  }
0x21: {  	s21 =	sand.u32 $0xFFFFF80, s21  }
0x22: {  	s21 =	sadd.s32 s1, s21  }
0x23: {  	[tilespmem:s14], [sflag:$0x1] =	stream.strided.gather [hbm4b:s21+s12], $0x4000, s13, s12, $0x38;
	[tilespmem:$0x8700] =	vst v63  }
0x24: {  	v11 =	vld.idx.msk [tilespmem:v2+s4+$0x0], $0xffff;
	_ =	sdelay $0x4  }
0x25: {  	(v2sf) =	vpush v11, $0x0;
	_ =	sdelay $0xe  }
0x26: {  	s29 =	spop (v2sf)  }
0x27: {  	s21 =	sand.u32 $0xFFFFF80, s29  }
0x28: {  	s21 =	sadd.s32 s1, s21  }
0x29: {  	[tilespmem:s15], [sflag:$0x2] =	stream.strided.gather [hbm4b:s21+s12], $0x4000, s13, s12, $0x38;
	[tilespmem:$0x8700] =	vst v63  }
0x2a: {  	_ =	swait.ge [sflag:s16], $0x4000  }
0x2b: {  	[sflag:s16] =	ssyncset.done $0x0  }
0x2c: {  	[sflag:s16] =	ssyncadd.s32 $0xFFFFC000  }
0x2d: {  	v11 =	vld.idx.msk [tilespmem:v1+s17+$0x0], $0xffff;
	_ =	sdelay $0x1  }
0x2e: {  	v12 =	vmov s4  }
0x2f: {  	v12 =	vshll.u32 v12, $0x7  }
0x30: {  	v12 =	vor.u32 v0, v12  }
0x31: {  	v12 =	vadd.s32 v11, v12;
	_ =	sdelay $0x3  }
0x32: {  	s30 =	simm.s32 $0x10  }
0x33: {  	v14 =	vld.idx.msk [tilespmem:v12+s14+$0x0], $0xffff;
	v12 =	vmov s30  }
0x34: {  	v12 =	vshll.u32 v12, $0x7  }
0x35: {  	v12 =	vor.u32 v0, v12  }
0x36: {  	v12 =	vadd.s32 v11, v12;
	_ =	sdelay $0x2  }
0x37: {  	s31 =	simm.s32 $0x20  }
0x38: {  	s22 =	simm.s32 $0x30;
	v13 =	vmov s31;
	s21 =	simm.s32 $0x8100;
	[tilespmem:s19+$0x0] =	vst v14  }
.LBB2_2:
0x39: {  	p1 =	sne.s32 s22, $0x70;
	v13 =	vshll.u32 v13, $0x7;
	v14 =	vld.idx.msk [tilespmem:v12+s14+$0x0], $0xffff  }
0x3a: {  	v12 =	vor.u32 v0, v13  }
.Ltmp0:
0x3b: {  	v12 =	vadd.s32 v11, v12;
	(pc) =	sbr.rel @p1 .LBB2_2-.Ltmp0, $3  }
0x3c: {  	_ =	sdelay $0x1  }
0x3d: {  	s21 =	sadd.s32 $0x10, s21  }
0x3e: {  	v13 =	vmov s22;
	s22 =	sadd.s32 $0x10, s22;
	[tilespmem:s21+$0x0] =	vst v14  }
0x3f: {  	_ =	sdelay $0x2  }
0x40: {  	v13 =	vshll.u32 v13, $0x7  }
0x41: {  	v12 =	vld.idx.msk [tilespmem:v12+s14+$0x0], $0xffff;
	v13 =	vor.u32 v0, v13  }
0x42: {  	v11 =	vadd.s32 v11, v13;
	_ =	sdelay $0x2  }
0x43: {  	s21 =	sadd.s32 $0x10, s21  }
0x44: {  	[tilespmem:s21+$0x0] =	vst v12  }
0x45: {  	v11 =	vld.idx.msk [tilespmem:v11+s14+$0x0], $0xffff;
	_ =	sdelay $0x3  }
0x46: {  	s21 =	sadd.s32 $0x10, s21  }
0x47: {  	[tilespmem:s21+$0x0] =	vst v11  }
0x48: {  	_ =	swait.ge [sflag:s18], $0x4000  }
0x49: {  	[sflag:s18] =	ssyncset.done $0x0  }
0x4a: {  	[sflag:s18] =	ssyncadd.s32 $0xFFFFC000  }
0x4b: {  	v11 =	vld.idx.msk [tilespmem:v2+s17+$0x0], $0xffff;
	_ =	sdelay $0x4  }
0x4c: {  	v57 =	vadd.s32 v3, v11;
	_ =	sdelay $0x4  }
0x4d: {  	v12 =	vld.idx.msk [tilespmem:v57+s14+$0x0], $0xffff  }
0x4e: {  	v58 =	vadd.s32 v4, v11;
	_ =	sdelay $0x3  }
0x4f: {  	[tilespmem:$0x8180] =	vst v12  }
0x50: {  	v12 =	vld.idx.msk [tilespmem:v58+s14+$0x0], $0xffff  }
0x51: {  	v59 =	vadd.s32 v5, v11;
	_ =	sdelay $0x3  }
0x52: {  	[tilespmem:$0x8190] =	vst v12  }
0x53: {  	v12 =	vld.idx.msk [tilespmem:v59+s14+$0x0], $0xffff  }
0x54: {  	v60 =	vadd.s32 v6, v11;
	_ =	sdelay $0x3  }
0x55: {  	[tilespmem:$0x81A0] =	vst v12  }
0x56: {  	v12 =	vld.idx.msk [tilespmem:v60+s14+$0x0], $0xffff  }
0x57: {  	v61 =	vadd.s32 v7, v11;
	_ =	sdelay $0x3  }
0x58: {  	[tilespmem:$0x81B0] =	vst v12  }
0x59: {  	v12 =	vld.idx.msk [tilespmem:v61+s14+$0x0], $0xffff  }
0x5a: {  	v62 =	vadd.s32 v8, v11;
	_ =	sdelay $0x3  }
0x5b: {  	[tilespmem:$0x81C0] =	vst v12  }
0x5c: {  	v12 =	vld.idx.msk [tilespmem:v62+s14+$0x0], $0xffff  }
0x5d: {  	v63 =	vadd.s32 v9, v11;
	_ =	sdelay $0x3  }
0x5e: {  	[tilespmem:$0x81D0] =	vst v12  }
0x5f: {  	v12 =	vld.idx.msk [tilespmem:v63+s14+$0x0], $0xffff  }
0x60: {  	v11 =	vadd.s32 v10, v11;
	_ =	sdelay $0x3  }
0x61: {  	[tilespmem:$0x81E0] =	vst v12  }
0x62: {  	v11 =	vld.idx.msk [tilespmem:v11+s14+$0x0], $0xffff;
	_ =	sdelay $0x4  }
0x63: {  	[tilespmem:$0x81F0] =	vst v11  }
0x64: {  	[spmem:s5] =	stream.linear.scatter [tilespmem:s19], [sflag:$0x3], $0x100, $0x38;
	[tilespmem:$0x8700] =	vst v63  }
0x65: {  	_ =	swait.ge [sflag:s11], $0x100  }
0x66: {  	[sflag:s11] =	ssyncset.done $0x0  }
0x67: {  	[sflag:s11] =	ssyncadd.s32 $0xFFFFFF00  }
0x68: {  	s22 =	simm.s32 @!p0 $0x3;
	s21 =	simm.s32 @!p0 $0x8200;
	[bflag:$0x0] =	sbarrier.arrive $0xFFFF  }
0x69: {  	[tilespmem:s21], [sflag:$0x3] =	stream.linear.gather @!p0 [spmem:s5], $0x100, $0x38;
	[tilespmem:$0x8700] =	vst v63  }
0x6a: {  	_ =	swait.ge @!p0 [sflag:s22], $0x100  }
0x6b: {  	[sflag:s22] =	ssyncset.done @!p0 $0x0  }
0x6c: {  	s23 =	simm.s32 @!p0 $0x8300;
	[sflag:s22] =	ssyncadd.s32 @!p0 $0xFFFFFF00  }
0x6d: {  	[tilespmem:s23], [sflag:$0x3] =	stream.linear.gather @!p0 [spmem:s6], $0x100, $0x38;
	[tilespmem:$0x8700] =	vst v63  }
0x6e: {  	_ =	swait.ge @!p0 [sflag:s22], $0x100  }
0x6f: {  	[sflag:s22] =	ssyncset.done @!p0 $0x0  }
0x70: {  	s23 =	simm.s32 @!p0 $0x8400;
	[sflag:s22] =	ssyncadd.s32 @!p0 $0xFFFFFF00  }
0x71: {  	[tilespmem:s23], [sflag:$0x3] =	stream.linear.gather @!p0 [spmem:s7], $0x100, $0x38;
	[tilespmem:$0x8700] =	vst v63  }
0x72: {  	_ =	swait.ge @!p0 [sflag:s22], $0x100  }
0x73: {  	[sflag:s22] =	ssyncset.done @!p0 $0x0  }
0x74: {  	s23 =	simm.s32 @!p0 $0x8500;
	[sflag:s22] =	ssyncadd.s32 @!p0 $0xFFFFFF00  }
0x75: {  	[tilespmem:s23], [sflag:$0x3] =	stream.linear.gather @!p0 [spmem:s8], $0x100, $0x38;
	[tilespmem:$0x8700] =	vst v63  }
0x76: {  	s20 =	sadd.s32 $0x1, s20;
	_ =	swait.ge @!p0 [sflag:s22], $0x100  }
0x77: {  	p1 =	sne.s32 s20, s10;
	[sflag:s22] =	ssyncset.done @!p0 $0x0  }
.Ltmp1:
0x78: {  	s23 =	simm.s32 @!p0 $0x0;
	[sflag:s22] =	ssyncadd.s32 @!p0 $0xFFFFFF00;
	(pc) =	sbr.rel @p1 .LBB2_1-.Ltmp1, $4  }
0x79: {  	[hbm4b:s9+s23] =	stream.linear.scatter @!p0 [tilespmem:s21], [sflag:$0x3], $0x400, $0x38;
	[tilespmem:$0x8700] =	vst v63  }
0x7a: {  	_ =	swait.ge @!p0 [sflag:s22], $0x400  }
0x7b: {  	[sflag:s22] =	ssyncset.done @!p0 $0x0  }
0x7c: {  	[sflag:s22] =	ssyncadd.s32 @!p0 $0xFFFFFC00  }
0x7d: {  	_ =	sfence.sel $0x180000  }
0x7e: {  	[bflag:$0x0] =	sbarrier.arrive $0xFFFF  }
0x7f: {  	p0 =	sne.s32 s3, $0x0;
	_ =	strace $0x90000047  }
0x80: {  	s0 =	sadd.s32 @!p0 $0x100000, s0;
	[bflag:$0x2] =	sbarrier.arrive $0xFFFF  }
0x81: {  	[sflag:s0] =	ssyncadd.tile.s32 @!p0 $0x1;
	_ =	shalt  }
.Lfunc_end2:
_tile_overlayer_lowered:
.L_overlay_start_2:
0x82: {  	(tag) =	ssettag $0x2  }
0x83: {  	s0 =	rddreg [dreg:$0x0];
	s2 =	stileid.u32  }
0x84: {  	s1 =	rddreg [dreg:$0x1];
	p0 =	sne.s32 s2, $0x0  }
0x85: {  	s3 =	rddreg [dreg:$0x2];
	[bflag:$0x3] =	sbarrier.arrive $0xFFFF;
	s2 =	simm.s32 @!p0 $0x1C03  }
0x86: {  	[timem:s3], [sflag:s2] =	dma.local @!p0 [hbm:s0], s1  }
0x87: {  	s0 =	simm.s32 @!p0 $0x3  }
0x88: {  	_ =	swait.ge @!p0 [sflag:s0], s1  }
0x89: {  	s1 =	ssub.s32 @!p0 $0x0, s1;
	[sflag:s0] =	ssyncset.done @!p0 $0x0  }
0x8a: {  	[sflag:s0] =	ssyncadd.s32 @!p0 s1  }
0x8b: {  	[bflag:$0x3] =	sbarrier.arrive $0xFFFF  }
0x8c: {  	_ =	shalt  }

</sc_bundles>
